<compile_context>
chip_gen: v7x
topology: tpu7x:2x2x1
jax: 0.10.2.dev20260603
libtpu: 0.0.44.dev20260713+nightly
codegen_flags: <defaults>
</compile_context>

<pallas_src>
import math

import jax
import jax.numpy as jnp
from jax import lax
from jax.experimental import pallas as pl
from jax.experimental.pallas import tpu as pltpu
from jax.experimental.pallas import tpu_sc as plsc

_K = 8
_BSZ = 128
_N = 1000
_ROWS = 16
_SC_LANES = 16


def _expm1(x):
    u = jnp.exp(x)
    um1 = u - 1.0
    return jnp.where(u == 1.0, x,
                     jnp.where(um1 == -1.0, -1.0, um1 * x / jnp.log(u)))


def _log1mexp(x):
    mask = (-math.log(2.0)) < x
    return jnp.where(mask, jnp.log(-_expm1(x)), jnp.log1p(-jnp.exp(x)))


def _logaddexp_dp(x1, x2):
    c = jnp.float32(-3e38)
    m1 = jnp.maximum(x1, c)
    m2 = jnp.maximum(x2, c)
    negabs = jnp.minimum(m1, m2) - jnp.maximum(m1, m2)
    return jnp.maximum(x1, x2) + jnp.log1p(jnp.exp(negabs))


_CHUNK = 8


def _tc_dp_body(logits_t_ref, urev_ref, d_ref, lp_ref, lq_ref, a_ref):
    neg_inf = jnp.float32(-jnp.inf)

    lp = jnp.minimum(jax.nn.log_sigmoid(logits_t_ref[...]), -1e-07)
    lp_ref[...] = lp
    lq_ref[...] = _log1mexp(lp)

    rows = jax.lax.broadcasted_iota(jnp.int32, (_ROWS, _BSZ), 0)
    state0 = jnp.where(rows == 1, 0.0, neg_inf)
    a_ref[0] = state0

    def dp_step(t, carry):
        state, lp_row, lq_row = carry
        s_lo = jnp.concatenate(
            [jnp.full((1, _BSZ), neg_inf, jnp.float32), state[:-1, :]],
            axis=0) + lp_row
        new = _logaddexp_dp(s_lo, state + lq_row)
        a_ref[pl.ds(t + 1, 1)] = new[None]
        tn = jnp.minimum(t + 1, _N - 1)
        return new, lp_ref[pl.ds(tn, 1), :], lq_ref[pl.ds(tn, 1), :]

    jax.lax.fori_loop(
        0, _N, dp_step,
        (state0, lp_ref[pl.ds(0, 1), :], lq_ref[pl.ds(0, 1), :]),
        unroll=2)

    rows3 = jax.lax.broadcasted_iota(jnp.int32, (_CHUNK, _ROWS, _BSZ), 1)
    rows3_valid = (rows3 >= 1) & (rows3 <= _K + 1)

    def d_chunk(c, _):
        t = c * _CHUNK
        a_lo = a_ref[pl.ds(t, _CHUNK)]
        a_hi = a_ref[pl.ds(t + 1, _CHUNK)]
        lp_c = lp_ref[pl.ds(t, _CHUNK), :][:, None, :]
        s_lo = jnp.concatenate(
            [jnp.full((_CHUNK, 1, _BSZ), neg_inf, jnp.float32),
             a_lo[:, :-1, :]], axis=1) + lp_c
        p = s_lo - a_hi
        u_c = urev_ref[pl.ds(t, _CHUNK), :][:, None, :]
        bit = (u_c < jnp.exp(p)).astype(jnp.int32)
        word = jnp.sum(jnp.where(rows3_valid, bit << rows3, 0), axis=1)
        d_ref[pl.ds(t, _CHUNK), :] = word
        return _

    jax.lax.fori_loop(0, _N // _CHUNK, d_chunk, 0)


def _tc_dp(logits_t, us_rev):
    return pl.pallas_call(
        _tc_dp_body,
        out_shape=jax.ShapeDtypeStruct((_N, _BSZ), jnp.int32),
        in_specs=[
            pl.BlockSpec(memory_space=pltpu.VMEM),
            pl.BlockSpec(memory_space=pltpu.VMEM),
        ],
        out_specs=pl.BlockSpec(memory_space=pltpu.VMEM),
        scratch_shapes=[
            pltpu.VMEM((_N, _BSZ), jnp.float32),
            pltpu.VMEM((_N, _BSZ), jnp.float32),
            pltpu.VMEM((_N + 1, _ROWS, _BSZ), jnp.float32),
        ],
    )(logits_t, us_rev)


_NBLK = 4
_BLK = _N // _NBLK
_NHYP = _K + 1


def _sc_sampler_body(d_hbm, out_hbm, d_v, x_v, m_stage, m_all, maps_sh):
    c = lax.axis_index("c")
    s = lax.axis_index("s")
    g = c * 4 + s // 4
    b = s % 4
    lane0 = g * _SC_LANES
    row0 = b * _BLK
    pltpu.sync_copy(d_hbm.at[pl.ds(row0, _BLK), pl.ds(lane0, _SC_LANES)],
                    d_v)

    def hyp_step(t, js):
        w = d_v[_BLK - 1 - t]
        return tuple(j - ((w >> j) & 1) for j in js)

    js0 = tuple(jnp.full((_SC_LANES,), h, jnp.int32)
                for h in range(1, _NHYP + 1))
    js = jax.lax.fori_loop(0, _BLK, hyp_step, js0)
    for h in range(_NHYP):
        m_stage[h] = js[h]

    pltpu.sync_copy(m_stage, maps_sh.at[s])
    plsc.subcore_barrier()
    pltpu.sync_copy(maps_sh.at[pl.ds((s // 4) * 4, _NBLK)], m_all)
    lanes = lax.iota(jnp.int32, _SC_LANES)
    j = jnp.full((_SC_LANES,), _NHYP, jnp.int32)
    for bp in (3, 2, 1):
        mapped = plsc.load_gather(
            m_all, [jnp.full((_SC_LANES,), bp, jnp.int32), j - 1, lanes])
        j = jnp.where(bp > b, mapped, j)

    def step(t, j):
        r = _BLK - 1 - t
        w = d_v[r]
        bit = (w >> j) & 1
        x_v[r] = bit.astype(jnp.float32)
        return j - bit

    jax.lax.fori_loop(0, _BLK, step, j)
    pltpu.sync_copy(
        x_v, out_hbm.at[pl.ds(row0, _BLK), pl.ds(lane0, _SC_LANES)])


def _sc_sampler(d):
    mesh = plsc.VectorSubcoreMesh(core_axis_name="c", subcore_axis_name="s",
                                  num_cores=2, num_subcores=16)
    run = pl.kernel(
        _sc_sampler_body,
        out_type=jax.ShapeDtypeStruct((_N, _BSZ), jnp.float32),
        mesh=mesh,
        scratch_types=[
            pltpu.VMEM((_BLK, _SC_LANES), jnp.int32),
            pltpu.VMEM((_BLK, _SC_LANES), jnp.float32),
            pltpu.VMEM((_NHYP, _SC_LANES), jnp.int32),
            pltpu.VMEM((_NBLK, _NHYP, _SC_LANES), jnp.int32),
            pltpu.VMEM_SHARED((16, _NHYP, _SC_LANES), jnp.int32),
        ],
        compiler_params=pltpu.CompilerParams(use_tc_tiling_on_sc=False,
                                             needs_layout_passes=False),
    )
    return run(d)


def _uniforms():
    keys = jax.random.split(jax.random.key(42), _N)
    return jax.vmap(lambda k: jax.random.uniform(k, (_BSZ,)))(keys)


def kernel(logits):
    us = _uniforms()
    d = _tc_dp(logits.T, us[::-1])
    return _sc_sampler(d).T

# --- scband reference (transcript-rebuilt; emitter-appended) ---
"""Pipeline reference for scband-simplesampler-15934328668770 (READ-ONLY COPY).

The authoritative reference and input builder live on the scoring server;
editing this copy changes nothing except your own understanding.
"""

import jax, jax.numpy as jnp
import numpy as np
import math

K = 8
BATCH = 128
N = 1000

def log1mexp(x):
    mask = (-math.log(2.0)) < x
    return jnp.where(mask, jnp.log(-jnp.expm1(x)), jnp.log1p(-jnp.exp(x)))

def logaddexp_c(x1, x2):
    delta = jnp.where(x1 == x2, 0.0, x1 - x2)
    return jnp.maximum(x1, x2) + jax.nn.softplus(-jnp.abs(delta))

def log_sigmoid_f(logits):
    return jnp.minimum(jax.nn.log_sigmoid(logits), -1e-07)

def log_pr_exactly_k(logp, logq, k):
    bsz, n = logp.shape
    state0 = jnp.full((bsz, k + 2), -jnp.inf).at[:, 1].set(0.0)
    def step(state, cols):
        lp, lq = cols
        new = jnp.concatenate([jnp.full((bsz, 1), -jnp.inf), logaddexp_c(state[:, :-1] + lp[:, None], state[:, 1:] + lq[:, None])], axis=1)
        return new, new
    _, states = jax.lax.scan(step, state0, (logp.T, logq.T))
    a = jnp.concatenate([state0[None], states], axis=0)  # [n+1, bsz, k+2]
    return jnp.transpose(a, (1, 0, 2))  # [bsz, n+1, k+2]

def sample_fn(a, probs, key):
    bsz = a.shape[0]
    n = a.shape[1] - 1
    kk = a.shape[2] - 1  # equals K + 1, matching torch: k = a.shape[-1] - 1
    batch_idx = jnp.arange(bsz)
    keys = jax.random.split(key, n)
    j0 = jnp.full((bsz,), kk, dtype=jnp.int32)
    def step(j, xs):
        i, sub = xs
        p = a[batch_idx, i - 1, j - 1]
        z = a[batch_idx, i, j]
        p = p + probs[:, i - 1] - z
        q = log1mexp(p)
        u = jax.random.uniform(sub, (bsz,))
        X = (u < jax.nn.sigmoid(p - q)).astype(jnp.float32)
        j = jnp.where(X > 0, j - 1, j)
        return j, X
    _, Xs = jax.lax.scan(step, j0, (jnp.arange(n, 0, -1), keys))
    # Xs[t] corresponds to i = n - t, i.e. column i-1 = n-1-t -> reverse then transpose
    return Xs[::-1].T.astype(jnp.float32)

def setup_inputs(seed: int = 0) -> dict:
    key = jax.random.key(seed)
    logits = jax.random.normal(key, (BATCH, N), dtype=jnp.float32)
    return {"logits": logits}

def reference(logits):
    logp = log_sigmoid_f(logits)
    logq = log1mexp(logp)
    a = log_pr_exactly_k(logp, logq, K)
    samples_p = sample_fn(a, logp, jax.random.key(42))
    return samples_p

if __name__ == "__main__":
    import jax
    _d = setup_inputs()
    print(jax.jit(kernel)(*tuple(_d.values())))

</pallas_src>

<mosaic_0001>
#map = affine_map<(d0, d1) -> (0, 0)>
module attributes {stable_mosaic.version = 14 : i64} {
  func.func @_sc_sampler_body(%arg0: i32, %arg1: i32, %arg2: memref<1000x128xi32, #tpu.memory_space<hbm>>, %arg3: memref<1000x128xf32, #tpu.memory_space<hbm>>, %arg4: memref<250x16xi32, #tpu.memory_space<vmem>>, %arg5: memref<250x16xf32, #tpu.memory_space<vmem>>, %arg6: memref<9x16xi32, #tpu.memory_space<vmem>>, %arg7: memref<4x9x16xi32, #tpu.memory_space<vmem>>, %arg8: memref<16x9x16xi32, #tpu.memory_space<vmem_shared>>) attributes {dimension_semantics = [#tpu.dimension_semantics<core_parallel>, #tpu.dimension_semantics<subcore_parallel>], iteration_bounds = array<i64: 2, 16>, scalar_prefetch = 0 : i64, scratch_operands = 5 : i64, tpu.core_type = #tpu.core_type<sc_vector_subcore>, window_params = [{transform_indices = #map}, {transform_indices = #map}]} {
    %mul3A = arith.constant 4 : i32
    %mul3A_0 = arith.muli %arg0, %mul3A : i32
    %jit3A = arith.constant 4 : i32
    %div3A = arith.divsi %arg1, %jit3A : i32
    %sign3A = arith.constant 0 : i32
    %sign3A_1 = arith.cmpi sgt, %arg1, %sign3A : i32
    %sign3A_2 = arith.extui %sign3A_1 : i1 to i32
    %sign3A_3 = arith.constant 0 : i32
    %sign3A_4 = arith.cmpi slt, %arg1, %sign3A_3 : i32
    %sign3A_5 = arith.extui %sign3A_4 : i1 to i32
    %sign3A_6 = arith.subi %sign3A_2, %sign3A_5 : i32
    %sign3A_7 = arith.constant 0 : i32
    %sign3A_8 = arith.cmpi sgt, %jit3A, %sign3A_7 : i32
    %sign3A_9 = arith.extui %sign3A_8 : i1 to i32
    %sign3A_10 = arith.constant 0 : i32
    %sign3A_11 = arith.cmpi slt, %jit3A, %sign3A_10 : i32
    %sign3A_12 = arith.extui %sign3A_11 : i1 to i32
    %sign3A_13 = arith.subi %sign3A_9, %sign3A_12 : i32
    %ne3A = arith.cmpi ne, %sign3A_6, %sign3A_13 : i32
    %rem3A = arith.remsi %arg1, %jit3A : i32
    %ne3A_14 = arith.constant 0 : i32
    %ne3A_15 = arith.cmpi ne, %rem3A, %ne3A_14 : i32
    %and3A = arith.andi %ne3A, %ne3A_15 : i1
    %sub3A = arith.constant 1 : i32
    %sub3A_16 = arith.subi %div3A, %sub3A : i32
    %select_n3A = arith.select %and3A, %sub3A_16, %div3A : i32
    %add3A = arith.addi %mul3A_0, %select_n3A : i32
    %jit3A_17 = arith.constant 4 : i32
    %eq3A = arith.constant 0 : i32
    %eq3A_18 = arith.cmpi eq, %jit3A_17, %eq3A : i32
    %jit3A_19 = arith.constant 1 : i32
    %select_n3A_20 = arith.select %eq3A_18, %jit3A_19, %jit3A_17 : i32
    %rem3A_21 = arith.remsi %arg1, %select_n3A_20 : i32
    %ne3A_22 = arith.constant 0 : i32
    %ne3A_23 = arith.cmpi ne, %rem3A_21, %ne3A_22 : i32
    %lt3A = arith.constant 0 : i32
    %lt3A_24 = arith.cmpi slt, %rem3A_21, %lt3A : i32
    %lt3A_25 = arith.constant 0 : i32
    %lt3A_26 = arith.cmpi slt, %select_n3A_20, %lt3A_25 : i32
    %ne3A_27 = arith.xori %lt3A_24, %lt3A_26 : i1
    %and3A_28 = arith.andi %ne3A_27, %ne3A_23 : i1
    %add3A_29 = arith.addi %rem3A_21, %select_n3A_20 : i32
    %select_n3A_30 = arith.select %and3A_28, %add3A_29, %rem3A_21 : i32
    %mul3A_31 = arith.constant 16 : i32
    %mul3A_32 = arith.muli %add3A, %mul3A_31 : i32
    %mul3A_33 = arith.constant 250 : i32
    %mul3A_34 = arith.muli %select_n3A_30, %mul3A_33 : i32
    "tpu.region"() ({
      %run_scoped3A = tpu.sem_alloc : memref<!tpu.dma_semaphore, #tpu.memory_space<semaphore_mem>>
      %dma_start3A = tpu.memref_slice %arg2[%mul3A_34, %mul3A_32] : memref<1000x128xi32, #tpu.memory_space<hbm>> -> memref<250x16xi32, #tpu.memory_space<hbm>>
      %dma_start3A_152 = tpu.memref_slice %arg2[%mul3A_34, %mul3A_32] : memref<1000x128xi32, #tpu.memory_space<hbm>> -> memref<250x16xi32, #tpu.memory_space<hbm>>
      tpu.enqueue_dma source(%dma_start3A_152 : memref<250x16xi32, #tpu.memory_space<hbm>>) target(%arg4 : memref<250x16xi32, #tpu.memory_space<vmem>>) target_semaphore(%run_scoped3A : memref<!tpu.dma_semaphore, #tpu.memory_space<semaphore_mem>>)
      %dma_wait3A = tpu.memref_slice %arg2[%mul3A_34, %mul3A_32] : memref<1000x128xi32, #tpu.memory_space<hbm>> -> memref<250x16xi32, #tpu.memory_space<hbm>>
      %dma_wait3A_153 = tpu.memref_slice %arg2[%mul3A_34, %mul3A_32] : memref<1000x128xi32, #tpu.memory_space<hbm>> -> memref<250x16xi32, #tpu.memory_space<hbm>>
      tpu.wait_dma2 semaphore(%run_scoped3A : memref<!tpu.dma_semaphore, #tpu.memory_space<semaphore_mem>>) src(%dma_wait3A_153 : memref<250x16xi32, #tpu.memory_space<hbm>>) dst(%arg4 : memref<250x16xi32, #tpu.memory_space<vmem>>)
      tpu.yield
    }) : () -> ()
    %broadcast_in_dim3A = arith.constant 1 : i32
    %broadcast_in_dim3A_35 = vector.broadcast %broadcast_in_dim3A : i32 to vector<16xi32>
    %broadcast_in_dim3A_36 = arith.constant 2 : i32
    %broadcast_in_dim3A_37 = vector.broadcast %broadcast_in_dim3A_36 : i32 to vector<16xi32>
    %broadcast_in_dim3A_38 = arith.constant 3 : i32
    %broadcast_in_dim3A_39 = vector.broadcast %broadcast_in_dim3A_38 : i32 to vector<16xi32>
    %broadcast_in_dim3A_40 = arith.constant 4 : i32
    %broadcast_in_dim3A_41 = vector.broadcast %broadcast_in_dim3A_40 : i32 to vector<16xi32>
    %broadcast_in_dim3A_42 = arith.constant 5 : i32
    %broadcast_in_dim3A_43 = vector.broadcast %broadcast_in_dim3A_42 : i32 to vector<16xi32>
    %broadcast_in_dim3A_44 = arith.constant 6 : i32
    %broadcast_in_dim3A_45 = vector.broadcast %broadcast_in_dim3A_44 : i32 to vector<16xi32>
    %broadcast_in_dim3A_46 = arith.constant 7 : i32
    %broadcast_in_dim3A_47 = vector.broadcast %broadcast_in_dim3A_46 : i32 to vector<16xi32>
    %broadcast_in_dim3A_48 = arith.constant 8 : i32
    %broadcast_in_dim3A_49 = vector.broadcast %broadcast_in_dim3A_48 : i32 to vector<16xi32>
    %broadcast_in_dim3A_50 = arith.constant 9 : i32
    %broadcast_in_dim3A_51 = vector.broadcast %broadcast_in_dim3A_50 : i32 to vector<16xi32>
    %scan3A = arith.constant 0 : i32
    %scan3A_52 = arith.constant 250 : i32
    %scan3A_53 = arith.addi %scan3A, %scan3A_52 : i32
    %scan3A_54 = arith.constant 1 : i32
    %scan3A_55:9 = scf.for %scan3A_152 = %scan3A to %scan3A_53 step %scan3A_54 iter_args(%scan3A_153 = %broadcast_in_dim3A_35, %scan3A_154 = %broadcast_in_dim3A_37, %scan3A_155 = %broadcast_in_dim3A_39, %scan3A_156 = %broadcast_in_dim3A_41, %scan3A_157 = %broadcast_in_dim3A_43, %scan3A_158 = %broadcast_in_dim3A_45, %scan3A_159 = %broadcast_in_dim3A_47, %scan3A_160 = %broadcast_in_dim3A_49, %scan3A_161 = %broadcast_in_dim3A_51) -> (vector<16xi32>, vector<16xi32>, vector<16xi32>, vector<16xi32>, vector<16xi32>, vector<16xi32>, vector<16xi32>, vector<16xi32>, vector<16xi32>)  : i32 {
      %sub3A_162 = arith.constant 249 : i32
      %sub3A_163 = arith.subi %sub3A_162, %scan3A_152 : i32
      %get3A = arith.index_cast %sub3A_163 : i32 to index
      %get3A_164 = arith.constant 0 : index
      %get3A_165 = tpu.vector_load %arg4[%get3A, %get3A_164] {strides = array<i32>} : memref<250x16xi32, #tpu.memory_space<vmem>>, vector<16xi32>,
      %shift_right_arithmetic3A = arith.shrsi %get3A_165, %scan3A_153 : vector<16xi32>
      %and3A_166 = arith.constant 1 : i32
      %and3A_167 = vector.broadcast %and3A_166 : i32 to vector<16xi32>
      %and3A_168 = arith.andi %shift_right_arithmetic3A, %and3A_167 : vector<16xi32>
      %sub3A_169 = arith.subi %scan3A_153, %and3A_168 : vector<16xi32>
      %shift_right_arithmetic3A_170 = arith.shrsi %get3A_165, %scan3A_154 : vector<16xi32>
      %and3A_171 = arith.constant 1 : i32
      %and3A_172 = vector.broadcast %and3A_171 : i32 to vector<16xi32>
      %and3A_173 = arith.andi %shift_right_arithmetic3A_170, %and3A_172 : vector<16xi32>
      %sub3A_174 = arith.subi %scan3A_154, %and3A_173 : vector<16xi32>
      %shift_right_arithmetic3A_175 = arith.shrsi %get3A_165, %scan3A_155 : vector<16xi32>
      %and3A_176 = arith.constant 1 : i32
      %and3A_177 = vector.broadcast %and3A_176 : i32 to vector<16xi32>
      %and3A_178 = arith.andi %shift_right_arithmetic3A_175, %and3A_177 : vector<16xi32>
      %sub3A_179 = arith.subi %scan3A_155, %and3A_178 : vector<16xi32>
      %shift_right_arithmetic3A_180 = arith.shrsi %get3A_165, %scan3A_156 : vector<16xi32>
      %and3A_181 = arith.constant 1 : i32
      %and3A_182 = vector.broadcast %and3A_181 : i32 to vector<16xi32>
      %and3A_183 = arith.andi %shift_right_arithmetic3A_180, %and3A_182 : vector<16xi32>
      %sub3A_184 = arith.subi %scan3A_156, %and3A_183 : vector<16xi32>
      %shift_right_arithmetic3A_185 = arith.shrsi %get3A_165, %scan3A_157 : vector<16xi32>
      %and3A_186 = arith.constant 1 : i32
      %and3A_187 = vector.broadcast %and3A_186 : i32 to vector<16xi32>
      %and3A_188 = arith.andi %shift_right_arithmetic3A_185, %and3A_187 : vector<16xi32>
      %sub3A_189 = arith.subi %scan3A_157, %and3A_188 : vector<16xi32>
      %shift_right_arithmetic3A_190 = arith.shrsi %get3A_165, %scan3A_158 : vector<16xi32>
      %and3A_191 = arith.constant 1 : i32
      %and3A_192 = vector.broadcast %and3A_191 : i32 to vector<16xi32>
      %and3A_193 = arith.andi %shift_right_arithmetic3A_190, %and3A_192 : vector<16xi32>
      %sub3A_194 = arith.subi %scan3A_158, %and3A_193 : vector<16xi32>
      %shift_right_arithmetic3A_195 = arith.shrsi %get3A_165, %scan3A_159 : vector<16xi32>
      %and3A_196 = arith.constant 1 : i32
      %and3A_197 = vector.broadcast %and3A_196 : i32 to vector<16xi32>
      %and3A_198 = arith.andi %shift_right_arithmetic3A_195, %and3A_197 : vector<16xi32>
      %sub3A_199 = arith.subi %scan3A_159, %and3A_198 : vector<16xi32>
      %shift_right_arithmetic3A_200 = arith.shrsi %get3A_165, %scan3A_160 : vector<16xi32>
      %and3A_201 = arith.constant 1 : i32
      %and3A_202 = vector.broadcast %and3A_201 : i32 to vector<16xi32>
      %and3A_203 = arith.andi %shift_right_arithmetic3A_200, %and3A_202 : vector<16xi32>
      %sub3A_204 = arith.subi %scan3A_160, %and3A_203 : vector<16xi32>
      %shift_right_arithmetic3A_205 = arith.shrsi %get3A_165, %scan3A_161 : vector<16xi32>
      %and3A_206 = arith.constant 1 : i32
      %and3A_207 = vector.broadcast %and3A_206 : i32 to vector<16xi32>
      %and3A_208 = arith.andi %shift_right_arithmetic3A_205, %and3A_207 : vector<16xi32>
      %sub3A_209 = arith.subi %scan3A_161, %and3A_208 : vector<16xi32>
      scf.yield %sub3A_169, %sub3A_174, %sub3A_179, %sub3A_184, %sub3A_189, %sub3A_194, %sub3A_199, %sub3A_204, %sub3A_209 : vector<16xi32>, vector<16xi32>, vector<16xi32>, vector<16xi32>, vector<16xi32>, vector<16xi32>, vector<16xi32>, vector<16xi32>, vector<16xi32>
    }
    %scan3A_56 = arith.constant 250 : i32
    %swap3A = arith.constant 0 : i32
    %swap3A_57 = arith.index_cast %swap3A : i32 to index
    %swap3A_58 = arith.constant 0 : index
    %swap3A_59 = tpu.vector_load %arg6[%swap3A_57, %swap3A_58] {strides = array<i32>} : memref<9x16xi32, #tpu.memory_space<vmem>>, vector<16xi32>,
    tpu.vector_store %arg6[%swap3A_57, %swap3A_58], %scan3A_55#0 {strides = array<i32>} : memref<9x16xi32, #tpu.memory_space<vmem>>, vector<16xi32>,
    %swap3A_60 = arith.constant 1 : i32
    %swap3A_61 = arith.index_cast %swap3A_60 : i32 to index
    %swap3A_62 = arith.constant 0 : index
    %swap3A_63 = tpu.vector_load %arg6[%swap3A_61, %swap3A_62] {strides = array<i32>} : memref<9x16xi32, #tpu.memory_space<vmem>>, vector<16xi32>,
    tpu.vector_store %arg6[%swap3A_61, %swap3A_62], %scan3A_55#1 {strides = array<i32>} : memref<9x16xi32, #tpu.memory_space<vmem>>, vector<16xi32>,
    %swap3A_64 = arith.constant 2 : i32
    %swap3A_65 = arith.index_cast %swap3A_64 : i32 to index
    %swap3A_66 = arith.constant 0 : index
    %swap3A_67 = tpu.vector_load %arg6[%swap3A_65, %swap3A_66] {strides = array<i32>} : memref<9x16xi32, #tpu.memory_space<vmem>>, vector<16xi32>,
    tpu.vector_store %arg6[%swap3A_65, %swap3A_66], %scan3A_55#2 {strides = array<i32>} : memref<9x16xi32, #tpu.memory_space<vmem>>, vector<16xi32>,
    %swap3A_68 = arith.constant 3 : i32
    %swap3A_69 = arith.index_cast %swap3A_68 : i32 to index
    %swap3A_70 = arith.constant 0 : index
    %swap3A_71 = tpu.vector_load %arg6[%swap3A_69, %swap3A_70] {strides = array<i32>} : memref<9x16xi32, #tpu.memory_space<vmem>>, vector<16xi32>,
    tpu.vector_store %arg6[%swap3A_69, %swap3A_70], %scan3A_55#3 {strides = array<i32>} : memref<9x16xi32, #tpu.memory_space<vmem>>, vector<16xi32>,
    %swap3A_72 = arith.constant 4 : i32
    %swap3A_73 = arith.index_cast %swap3A_72 : i32 to index
    %swap3A_74 = arith.constant 0 : index
    %swap3A_75 = tpu.vector_load %arg6[%swap3A_73, %swap3A_74] {strides = array<i32>} : memref<9x16xi32, #tpu.memory_space<vmem>>, vector<16xi32>,
    tpu.vector_store %arg6[%swap3A_73, %swap3A_74], %scan3A_55#4 {strides = array<i32>} : memref<9x16xi32, #tpu.memory_space<vmem>>, vector<16xi32>,
    %swap3A_76 = arith.constant 5 : i32
    %swap3A_77 = arith.index_cast %swap3A_76 : i32 to index
    %swap3A_78 = arith.constant 0 : index
    %swap3A_79 = tpu.vector_load %arg6[%swap3A_77, %swap3A_78] {strides = array<i32>} : memref<9x16xi32, #tpu.memory_space<vmem>>, vector<16xi32>,
    tpu.vector_store %arg6[%swap3A_77, %swap3A_78], %scan3A_55#5 {strides = array<i32>} : memref<9x16xi32, #tpu.memory_space<vmem>>, vector<16xi32>,
    %swap3A_80 = arith.constant 6 : i32
    %swap3A_81 = arith.index_cast %swap3A_80 : i32 to index
    %swap3A_82 = arith.constant 0 : index
    %swap3A_83 = tpu.vector_load %arg6[%swap3A_81, %swap3A_82] {strides = array<i32>} : memref<9x16xi32, #tpu.memory_space<vmem>>, vector<16xi32>,
    tpu.vector_store %arg6[%swap3A_81, %swap3A_82], %scan3A_55#6 {strides = array<i32>} : memref<9x16xi32, #tpu.memory_space<vmem>>, vector<16xi32>,
    %swap3A_84 = arith.constant 7 : i32
    %swap3A_85 = arith.index_cast %swap3A_84 : i32 to index
    %swap3A_86 = arith.constant 0 : index
    %swap3A_87 = tpu.vector_load %arg6[%swap3A_85, %swap3A_86] {strides = array<i32>} : memref<9x16xi32, #tpu.memory_space<vmem>>, vector<16xi32>,
    tpu.vector_store %arg6[%swap3A_85, %swap3A_86], %scan3A_55#7 {strides = array<i32>} : memref<9x16xi32, #tpu.memory_space<vmem>>, vector<16xi32>,
    %swap3A_88 = arith.constant 8 : i32
    %swap3A_89 = arith.index_cast %swap3A_88 : i32 to index
    %swap3A_90 = arith.constant 0 : index
    %swap3A_91 = tpu.vector_load %arg6[%swap3A_89, %swap3A_90] {strides = array<i32>} : memref<9x16xi32, #tpu.memory_space<vmem>>, vector<16xi32>,
    tpu.vector_store %arg6[%swap3A_89, %swap3A_90], %scan3A_55#8 {strides = array<i32>} : memref<9x16xi32, #tpu.memory_space<vmem>>, vector<16xi32>,
    "tpu.region"() ({
      %run_scoped3A = tpu.sem_alloc : memref<!tpu.dma_semaphore, #tpu.memory_space<semaphore_mem>>
      %dma_start3A = arith.constant 0 : i32
      %dma_start3A_152 = arith.constant 0 : i32
      %dma_start3A_153 = tpu.memref_slice %arg8[%arg1, %dma_start3A, %dma_start3A_152] : memref<16x9x16xi32, #tpu.memory_space<vmem_shared>> -> memref<1x9x16xi32, #tpu.memory_space<vmem_shared>>
      %dma_start3A_154 = tpu.memref_squeeze %dma_start3A_153 : memref<1x9x16xi32, #tpu.memory_space<vmem_shared>> -> memref<9x16xi32, #tpu.memory_space<vmem_shared>>
      %dma_start3A_155 = arith.constant 0 : i32
      %dma_start3A_156 = arith.constant 0 : i32
      %dma_start3A_157 = tpu.memref_slice %arg8[%arg1, %dma_start3A_155, %dma_start3A_156] : memref<16x9x16xi32, #tpu.memory_space<vmem_shared>> -> memref<1x9x16xi32, #tpu.memory_space<vmem_shared>>
      %dma_start3A_158 = tpu.memref_squeeze %dma_start3A_157 : memref<1x9x16xi32, #tpu.memory_space<vmem_shared>> -> memref<9x16xi32, #tpu.memory_space<vmem_shared>>
      tpu.enqueue_dma source(%arg6 : memref<9x16xi32, #tpu.memory_space<vmem>>) target(%dma_start3A_158 : memref<9x16xi32, #tpu.memory_space<vmem_shared>>) target_semaphore(%run_scoped3A : memref<!tpu.dma_semaphore, #tpu.memory_space<semaphore_mem>>)
      %dma_wait3A = arith.constant 0 : i32
      %dma_wait3A_159 = arith.constant 0 : i32
      %dma_wait3A_160 = tpu.memref_slice %arg8[%arg1, %dma_wait3A, %dma_wait3A_159] : memref<16x9x16xi32, #tpu.memory_space<vmem_shared>> -> memref<1x9x16xi32, #tpu.memory_space<vmem_shared>>
      %dma_wait3A_161 = tpu.memref_squeeze %dma_wait3A_160 : memref<1x9x16xi32, #tpu.memory_space<vmem_shared>> -> memref<9x16xi32, #tpu.memory_space<vmem_shared>>
      %dma_wait3A_162 = arith.constant 0 : i32
      %dma_wait3A_163 = arith.constant 0 : i32
      %dma_wait3A_164 = tpu.memref_slice %arg8[%arg1, %dma_wait3A_162, %dma_wait3A_163] : memref<16x9x16xi32, #tpu.memory_space<vmem_shared>> -> memref<1x9x16xi32, #tpu.memory_space<vmem_shared>>
      %dma_wait3A_165 = tpu.memref_squeeze %dma_wait3A_164 : memref<1x9x16xi32, #tpu.memory_space<vmem_shared>> -> memref<9x16xi32, #tpu.memory_space<vmem_shared>>
      tpu.wait_dma2 semaphore(%run_scoped3A : memref<!tpu.dma_semaphore, #tpu.memory_space<semaphore_mem>>) src(%arg6 : memref<9x16xi32, #tpu.memory_space<vmem>>) dst(%dma_wait3A_165 : memref<9x16xi32, #tpu.memory_space<vmem_shared>>)
      tpu.yield
    }) : () -> ()
    %barrier3A = arith.constant 0 : index
    tpu.barrier barrier_id(%barrier3A)
    %jit3A_92 = arith.constant 4 : i32
    %div3A_93 = arith.divsi %arg1, %jit3A_92 : i32
    %sign3A_94 = arith.constant 0 : i32
    %sign3A_95 = arith.cmpi sgt, %arg1, %sign3A_94 : i32
    %sign3A_96 = arith.extui %sign3A_95 : i1 to i32
    %sign3A_97 = arith.constant 0 : i32
    %sign3A_98 = arith.cmpi slt, %arg1, %sign3A_97 : i32
    %sign3A_99 = arith.extui %sign3A_98 : i1 to i32
    %sign3A_100 = arith.subi %sign3A_96, %sign3A_99 : i32
    %sign3A_101 = arith.constant 0 : i32
    %sign3A_102 = arith.cmpi sgt, %jit3A_92, %sign3A_101 : i32
    %sign3A_103 = arith.extui %sign3A_102 : i1 to i32
    %sign3A_104 = arith.constant 0 : i32
    %sign3A_105 = arith.cmpi slt, %jit3A_92, %sign3A_104 : i32
    %sign3A_106 = arith.extui %sign3A_105 : i1 to i32
    %sign3A_107 = arith.subi %sign3A_103, %sign3A_106 : i32
    %ne3A_108 = arith.cmpi ne, %sign3A_100, %sign3A_107 : i32
    %rem3A_109 = arith.remsi %arg1, %jit3A_92 : i32
    %ne3A_110 = arith.constant 0 : i32
    %ne3A_111 = arith.cmpi ne, %rem3A_109, %ne3A_110 : i32
    %and3A_112 = arith.andi %ne3A_108, %ne3A_111 : i1
    %sub3A_113 = arith.constant 1 : i32
    %sub3A_114 = arith.subi %div3A_93, %sub3A_113 : i32
    %select_n3A_115 = arith.select %and3A_112, %sub3A_114, %div3A_93 : i32
    %mul3A_116 = arith.constant 4 : i32
    %mul3A_117 = arith.muli %select_n3A_115, %mul3A_116 : i32
    "tpu.region"() ({
      %run_scoped3A = tpu.sem_alloc : memref<!tpu.dma_semaphore, #tpu.memory_space<semaphore_mem>>
      %dma_start3A = arith.constant 0 : i32
      %dma_start3A_152 = arith.constant 0 : i32
      %dma_start3A_153 = tpu.memref_slice %arg8[%mul3A_117, %dma_start3A, %dma_start3A_152] : memref<16x9x16xi32, #tpu.memory_space<vmem_shared>> -> memref<4x9x16xi32, #tpu.memory_space<vmem_shared>>
      %dma_start3A_154 = arith.constant 0 : i32
      %dma_start3A_155 = arith.constant 0 : i32
      %dma_start3A_156 = tpu.memref_slice %arg8[%mul3A_117, %dma_start3A_154, %dma_start3A_155] : memref<16x9x16xi32, #tpu.memory_space<vmem_shared>> -> memref<4x9x16xi32, #tpu.memory_space<vmem_shared>>
      tpu.enqueue_dma source(%dma_start3A_156 : memref<4x9x16xi32, #tpu.memory_space<vmem_shared>>) target(%arg7 : memref<4x9x16xi32, #tpu.memory_space<vmem>>) target_semaphore(%run_scoped3A : memref<!tpu.dma_semaphore, #tpu.memory_space<semaphore_mem>>)
      %dma_wait3A = arith.constant 0 : i32
      %dma_wait3A_157 = arith.constant 0 : i32
      %dma_wait3A_158 = tpu.memref_slice %arg8[%mul3A_117, %dma_wait3A, %dma_wait3A_157] : memref<16x9x16xi32, #tpu.memory_space<vmem_shared>> -> memref<4x9x16xi32, #tpu.memory_space<vmem_shared>>
      %dma_wait3A_159 = arith.constant 0 : i32
      %dma_wait3A_160 = arith.constant 0 : i32
      %dma_wait3A_161 = tpu.memref_slice %arg8[%mul3A_117, %dma_wait3A_159, %dma_wait3A_160] : memref<16x9x16xi32, #tpu.memory_space<vmem_shared>> -> memref<4x9x16xi32, #tpu.memory_space<vmem_shared>>
      tpu.wait_dma2 semaphore(%run_scoped3A : memref<!tpu.dma_semaphore, #tpu.memory_space<semaphore_mem>>) src(%dma_wait3A_161 : memref<4x9x16xi32, #tpu.memory_space<vmem_shared>>) dst(%arg7 : memref<4x9x16xi32, #tpu.memory_space<vmem>>)
      tpu.yield
    }) : () -> ()
    %iota3A = tpu.iota {dimensions = array<i32: 0>} : vector<16xi32>
    %broadcast_in_dim3A_118 = arith.constant 9 : i32
    %broadcast_in_dim3A_119 = vector.broadcast %broadcast_in_dim3A_118 : i32 to vector<16xi32>
    %broadcast_in_dim3A_120 = arith.constant 3 : i32
    %broadcast_in_dim3A_121 = vector.broadcast %broadcast_in_dim3A_120 : i32 to vector<16xi32>
    %sub3A_122 = arith.constant 1 : i32
    %sub3A_123 = vector.broadcast %sub3A_122 : i32 to vector<16xi32>
    %sub3A_124 = arith.subi %broadcast_in_dim3A_119, %sub3A_123 : vector<16xi32>
    %gather3A = tpu.vector_load_idx %arg7[%broadcast_in_dim3A_121, %sub3A_124, %iota3A] : memref<4x9x16xi32, #tpu.memory_space<vmem>>[vector<16xi32>, vector<16xi32>, vector<16xi32>], vector<16xi32>,
    %lt3A_125 = arith.constant 3 : i32
    %lt3A_126 = arith.cmpi slt, %select_n3A_30, %lt3A_125 : i32
    %select_n3A_127 = arith.select %lt3A_126, %gather3A, %broadcast_in_dim3A_119 : vector<16xi32>
    %broadcast_in_dim3A_128 = arith.constant 2 : i32
    %broadcast_in_dim3A_129 = vector.broadcast %broadcast_in_dim3A_128 : i32 to vector<16xi32>
    %sub3A_130 = arith.constant 1 : i32
    %sub3A_131 = vector.broadcast %sub3A_130 : i32 to vector<16xi32>
    %sub3A_132 = arith.subi %select_n3A_127, %sub3A_131 : vector<16xi32>
    %gather3A_133 = tpu.vector_load_idx %arg7[%broadcast_in_dim3A_129, %sub3A_132, %iota3A] : memref<4x9x16xi32, #tpu.memory_space<vmem>>[vector<16xi32>, vector<16xi32>, vector<16xi32>], vector<16xi32>,
    %lt3A_134 = arith.constant 2 : i32
    %lt3A_135 = arith.cmpi slt, %select_n3A_30, %lt3A_134 : i32
    %select_n3A_136 = arith.select %lt3A_135, %gather3A_133, %select_n3A_127 : vector<16xi32>
    %broadcast_in_dim3A_137 = arith.constant 1 : i32
    %broadcast_in_dim3A_138 = vector.broadcast %broadcast_in_dim3A_137 : i32 to vector<16xi32>
    %sub3A_139 = arith.constant 1 : i32
    %sub3A_140 = vector.broadcast %sub3A_139 : i32 to vector<16xi32>
    %sub3A_141 = arith.subi %select_n3A_136, %sub3A_140 : vector<16xi32>
    %gather3A_142 = tpu.vector_load_idx %arg7[%broadcast_in_dim3A_138, %sub3A_141, %iota3A] : memref<4x9x16xi32, #tpu.memory_space<vmem>>[vector<16xi32>, vector<16xi32>, vector<16xi32>], vector<16xi32>,
    %lt3A_143 = arith.constant 1 : i32
    %lt3A_144 = arith.cmpi slt, %select_n3A_30, %lt3A_143 : i32
    %select_n3A_145 = arith.select %lt3A_144, %gather3A_142, %select_n3A_136 : vector<16xi32>
    %scan3A_146 = arith.constant 0 : i32
    %scan3A_147 = arith.constant 250 : i32
    %scan3A_148 = arith.addi %scan3A_146, %scan3A_147 : i32
    %scan3A_149 = arith.constant 1 : i32
    %scan3A_150 = scf.for %scan3A_152 = %scan3A_146 to %scan3A_148 step %scan3A_149 iter_args(%scan3A_153 = %select_n3A_145) -> (vector<16xi32>)  : i32 {
      %sub3A_154 = arith.constant 249 : i32
      %sub3A_155 = arith.subi %sub3A_154, %scan3A_152 : i32
      %get3A = arith.index_cast %sub3A_155 : i32 to index
      %get3A_156 = arith.constant 0 : index
      %get3A_157 = tpu.vector_load %arg4[%get3A, %get3A_156] {strides = array<i32>} : memref<250x16xi32, #tpu.memory_space<vmem>>, vector<16xi32>,
      %shift_right_arithmetic3A = arith.shrsi %get3A_157, %scan3A_153 : vector<16xi32>
      %and3A_158 = arith.constant 1 : i32
      %and3A_159 = vector.broadcast %and3A_158 : i32 to vector<16xi32>
      %and3A_160 = arith.andi %shift_right_arithmetic3A, %and3A_159 : vector<16xi32>
      %convert_element_type3A = arith.sitofp %and3A_160 : vector<16xi32> to vector<16xf32>
      %swap3A_161 = arith.index_cast %sub3A_155 : i32 to index
      %swap3A_162 = arith.constant 0 : index
      %swap3A_163 = tpu.vector_load %arg5[%swap3A_161, %swap3A_162] {strides = array<i32>} : memref<250x16xf32, #tpu.memory_space<vmem>>, vector<16xf32>,
      tpu.vector_store %arg5[%swap3A_161, %swap3A_162], %convert_element_type3A {strides = array<i32>} : memref<250x16xf32, #tpu.memory_space<vmem>>, vector<16xf32>,
      %sub3A_164 = arith.subi %scan3A_153, %and3A_160 : vector<16xi32>
      scf.yield %sub3A_164 : vector<16xi32>
    }
    %scan3A_151 = arith.constant 250 : i32
    "tpu.region"() ({
      %run_scoped3A = tpu.sem_alloc : memref<!tpu.dma_semaphore, #tpu.memory_space<semaphore_mem>>
      %dma_start3A = tpu.memref_slice %arg3[%mul3A_34, %mul3A_32] : memref<1000x128xf32, #tpu.memory_space<hbm>> -> memref<250x16xf32, #tpu.memory_space<hbm>>
      %dma_start3A_152 = tpu.memref_slice %arg3[%mul3A_34, %mul3A_32] : memref<1000x128xf32, #tpu.memory_space<hbm>> -> memref<250x16xf32, #tpu.memory_space<hbm>>
      tpu.enqueue_dma source(%arg5 : memref<250x16xf32, #tpu.memory_space<vmem>>) target(%dma_start3A_152 : memref<250x16xf32, #tpu.memory_space<hbm>>) target_semaphore(%run_scoped3A : memref<!tpu.dma_semaphore, #tpu.memory_space<semaphore_mem>>)
      %dma_wait3A = tpu.memref_slice %arg3[%mul3A_34, %mul3A_32] : memref<1000x128xf32, #tpu.memory_space<hbm>> -> memref<250x16xf32, #tpu.memory_space<hbm>>
      %dma_wait3A_153 = tpu.memref_slice %arg3[%mul3A_34, %mul3A_32] : memref<1000x128xf32, #tpu.memory_space<hbm>> -> memref<250x16xf32, #tpu.memory_space<hbm>>
      tpu.wait_dma2 semaphore(%run_scoped3A : memref<!tpu.dma_semaphore, #tpu.memory_space<semaphore_mem>>) src(%arg5 : memref<250x16xf32, #tpu.memory_space<vmem>>) dst(%dma_wait3A_153 : memref<250x16xf32, #tpu.memory_space<hbm>>)
      tpu.yield
    }) : () -> ()
    return
  }
}

module attributes {stable_mosaic.version = 14 : i64} {
  func.func @_tc_dp_body(%arg0: memref<1000x128xf32, #tpu.memory_space<vmem>>, %arg1: memref<1000x128xf32, #tpu.memory_space<vmem>>, %arg2: memref<1000x128xi32, #tpu.memory_space<vmem>>, %arg3: memref<1000x128xf32, #tpu.memory_space<vmem>>, %arg4: memref<1000x128xf32, #tpu.memory_space<vmem>>, %arg5: memref<1001x16x128xf32, #tpu.memory_space<vmem>>) attributes {dimension_semantics = [], scalar_prefetch = 0 : i64, scratch_operands = 3 : i64, tpu.core_type = #tpu.core_type<tc>} {
    %get3A = arith.constant 0 : index
    %get3A_0 = arith.constant 0 : index
    %get3A_1 = vector.load %arg0[%get3A, %get3A_0] : memref<1000x128xf32, #tpu.memory_space<vmem>>, vector<1000x128xf32>
    %neg3A = arith.constant 0.000000e+00 : f32
    %neg3A_2 = vector.broadcast %neg3A : f32 to vector<1000x128xf32>
    %neg3A_3 = arith.subf %neg3A_2, %get3A_1 : vector<1000x128xf32>
    %custom_jvp_call3A = arith.constant 0.000000e+00 : f32
    %max3A = vector.broadcast %custom_jvp_call3A : f32 to vector<1000x128xf32>
    %max3A_4 = arith.maximumf %neg3A_3, %max3A : vector<1000x128xf32>
    %sub3A = vector.broadcast %custom_jvp_call3A : f32 to vector<1000x128xf32>
    %sub3A_5 = arith.subf %neg3A_3, %sub3A : vector<1000x128xf32>
    %ne3A = arith.cmpf one, %sub3A_5, %sub3A_5 : vector<1000x128xf32>
    %add3A = vector.broadcast %custom_jvp_call3A : f32 to vector<1000x128xf32>
    %add3A_6 = arith.addf %neg3A_3, %add3A : vector<1000x128xf32>
    %abs3A = math.absf %sub3A_5 : vector<1000x128xf32>
    %neg3A_7 = arith.constant 0.000000e+00 : f32
    %neg3A_8 = vector.broadcast %neg3A_7 : f32 to vector<1000x128xf32>
    %neg3A_9 = arith.subf %neg3A_8, %abs3A : vector<1000x128xf32>
    %exp3A = math.exp %neg3A_9 : vector<1000x128xf32>
    %log1p3A = math.log1p %exp3A : vector<1000x128xf32>
    %add3A_10 = arith.addf %max3A_4, %log1p3A : vector<1000x128xf32>
    %select_n3A = arith.select %ne3A, %add3A_6, %add3A_10 : vector<1000x128xi1>, vector<1000x128xf32>
    %neg3A_11 = arith.constant 0.000000e+00 : f32
    %neg3A_12 = vector.broadcast %neg3A_11 : f32 to vector<1000x128xf32>
    %neg3A_13 = arith.subf %neg3A_12, %select_n3A : vector<1000x128xf32>
    %min3A = arith.constant -1.000000e-07 : f32
    %min3A_14 = vector.broadcast %min3A : f32 to vector<1000x128xf32>
    %min3A_15 = arith.minimumf %neg3A_13, %min3A_14 : vector<1000x128xf32>
    %swap3A = arith.constant 0 : index
    %swap3A_16 = arith.constant 0 : index
    %swap3A_17 = vector.load %arg3[%swap3A, %swap3A_16] : memref<1000x128xf32, #tpu.memory_space<vmem>>, vector<1000x128xf32>
    tpu.vector_store %arg3[%swap3A, %swap3A_16], %min3A_15 {strides = array<i32>} : memref<1000x128xf32, #tpu.memory_space<vmem>>, vector<1000x128xf32>,
    %gt3A = arith.constant -0.693147182 : f32
    %gt3A_18 = vector.broadcast %gt3A : f32 to vector<1000x128xf32>
    %gt3A_19 = arith.cmpf ogt, %min3A_15, %gt3A_18 : vector<1000x128xf32>
    %exp3A_20 = math.exp %min3A_15 : vector<1000x128xf32>
    %sub3A_21 = arith.constant 1.000000e+00 : f32
    %sub3A_22 = vector.broadcast %sub3A_21 : f32 to vector<1000x128xf32>
    %sub3A_23 = arith.subf %exp3A_20, %sub3A_22 : vector<1000x128xf32>
    %eq3A = arith.constant 1.000000e+00 : f32
    %eq3A_24 = vector.broadcast %eq3A : f32 to vector<1000x128xf32>
    %eq3A_25 = arith.cmpf oeq, %exp3A_20, %eq3A_24 : vector<1000x128xf32>
    %eq3A_26 = arith.constant -1.000000e+00 : f32
    %eq3A_27 = vector.broadcast %eq3A_26 : f32 to vector<1000x128xf32>
    %eq3A_28 = arith.cmpf oeq, %sub3A_23, %eq3A_27 : vector<1000x128xf32>
    %mul3A = arith.mulf %sub3A_23, %min3A_15 : vector<1000x128xf32>
    %log3A = math.log %exp3A_20 : vector<1000x128xf32>
    %div3A = arith.divf %mul3A, %log3A : vector<1000x128xf32>
    %jit3A = arith.constant -1.000000e+00 : f32
    %broadcast_in_dim3A = vector.broadcast %jit3A : f32 to vector<1000x128xf32>
    %select_n3A_29 = arith.select %eq3A_28, %broadcast_in_dim3A, %div3A : vector<1000x128xi1>, vector<1000x128xf32>
    %select_n3A_30 = arith.select %eq3A_25, %min3A_15, %select_n3A_29 : vector<1000x128xi1>, vector<1000x128xf32>
    %neg3A_31 = arith.constant 0.000000e+00 : f32
    %neg3A_32 = vector.broadcast %neg3A_31 : f32 to vector<1000x128xf32>
    %neg3A_33 = arith.subf %neg3A_32, %select_n3A_30 : vector<1000x128xf32>
    %log3A_34 = math.log %neg3A_33 : vector<1000x128xf32>
    %exp3A_35 = math.exp %min3A_15 : vector<1000x128xf32>
    %neg3A_36 = arith.constant 0.000000e+00 : f32
    %neg3A_37 = vector.broadcast %neg3A_36 : f32 to vector<1000x128xf32>
    %neg3A_38 = arith.subf %neg3A_37, %exp3A_35 : vector<1000x128xf32>
    %log1p3A_39 = math.log1p %neg3A_38 : vector<1000x128xf32>
    %select_n3A_40 = arith.select %gt3A_19, %log3A_34, %log1p3A_39 : vector<1000x128xi1>, vector<1000x128xf32>
    %swap3A_41 = arith.constant 0 : index
    %swap3A_42 = arith.constant 0 : index
    %swap3A_43 = vector.load %arg4[%swap3A_41, %swap3A_42] : memref<1000x128xf32, #tpu.memory_space<vmem>>, vector<1000x128xf32>
    tpu.vector_store %arg4[%swap3A_41, %swap3A_42], %select_n3A_40 {strides = array<i32>} : memref<1000x128xf32, #tpu.memory_space<vmem>>, vector<1000x128xf32>,
    %iota3A = tpu.iota {dimensions = array<i32: 0>} : vector<16x128xi32>
    %eq3A_44 = arith.constant 1 : i32
    %eq3A_45 = vector.broadcast %eq3A_44 : i32 to vector<16x128xi32>
    %eq3A_46 = arith.cmpi eq, %iota3A, %eq3A_45 : vector<16x128xi32>
    %jit3A_47 = arith.constant 0.000000e+00 : f32
    %jit3A_48 = arith.constant 0xFF800000 : f32
    %broadcast_in_dim3A_49 = vector.broadcast %jit3A_47 : f32 to vector<16x128xf32>
    %broadcast_in_dim3A_50 = vector.broadcast %jit3A_48 : f32 to vector<16x128xf32>
    %select_n3A_51 = arith.select %eq3A_46, %broadcast_in_dim3A_49, %broadcast_in_dim3A_50 : vector<16x128xi1>, vector<16x128xf32>
    %swap3A_52 = arith.constant 0 : index
    %swap3A_53 = arith.constant 0 : index
    %swap3A_54 = arith.constant 0 : index
    %swap3A_55 = vector.load %arg5[%swap3A_52, %swap3A_53, %swap3A_54] : memref<1001x16x128xf32, #tpu.memory_space<vmem>>, vector<1x16x128xf32>
    %swap3A_56 = vector.shape_cast %swap3A_55 : vector<1x16x128xf32> to vector<16x128xf32>
    %swap3A_57 = vector.shape_cast %select_n3A_51 : vector<16x128xf32> to vector<1x16x128xf32>
    tpu.vector_store %arg5[%swap3A_52, %swap3A_53, %swap3A_54], %swap3A_57 {strides = array<i32>} : memref<1001x16x128xf32, #tpu.memory_space<vmem>>, vector<1x16x128xf32>,
    %get3A_58 = arith.constant 0 : index
    %get3A_59 = arith.constant 0 : index
    %get3A_60 = vector.load %arg3[%get3A_58, %get3A_59] : memref<1000x128xf32, #tpu.memory_space<vmem>>, vector<1x128xf32>
    %get3A_61 = arith.constant 0 : index
    %get3A_62 = arith.constant 0 : index
    %get3A_63 = vector.load %arg4[%get3A_61, %get3A_62] : memref<1000x128xf32, #tpu.memory_space<vmem>>, vector<1x128xf32>
    %scan3A = arith.constant 0xFF800000 : f32
    %scan3A_64 = arith.constant 0 : i32
    %scan3A_65 = arith.constant 1000 : i32
    %scan3A_66 = arith.addi %scan3A_64, %scan3A_65 : i32
    %scan3A_67 = arith.constant 2 : i32
    %scan3A_68:3 = scf.for %scan3A_81 = %scan3A_64 to %scan3A_66 step %scan3A_67 iter_args(%scan3A_82 = %select_n3A_51, %scan3A_83 = %get3A_60, %scan3A_84 = %get3A_63) -> (vector<16x128xf32>, vector<1x128xf32>, vector<1x128xf32>)  : i32 {
      %broadcast_in_dim3A_85 = vector.broadcast %scan3A : f32 to vector<1x128xf32>
      %slice3A = vector.extract_strided_slice %scan3A_82 {offsets = [0, 0], sizes = [15, 128], strides = [1, 1]} : vector<16x128xf32> to vector<15x128xf32>
      %concatenate3A = tpu.concatenate %broadcast_in_dim3A_85, %slice3A in 0 : vector<1x128xf32>, vector<15x128xf32> -> vector<16x128xf32>
      %add3A_86 = vector.broadcast %scan3A_83 : vector<1x128xf32> to vector<16x128xf32>
      %add3A_87 = arith.addf %concatenate3A, %add3A_86 : vector<16x128xf32>
      %add3A_88 = vector.broadcast %scan3A_84 : vector<1x128xf32> to vector<16x128xf32>
      %add3A_89 = arith.addf %scan3A_82, %add3A_88 : vector<16x128xf32>
      %max3A_90 = arith.constant -3.000000e+38 : f32
      %max3A_91 = vector.broadcast %max3A_90 : f32 to vector<16x128xf32>
      %max3A_92 = arith.maximumf %add3A_87, %max3A_91 : vector<16x128xf32>
      %max3A_93 = arith.constant -3.000000e+38 : f32
      %max3A_94 = vector.broadcast %max3A_93 : f32 to vector<16x128xf32>
      %max3A_95 = arith.maximumf %add3A_89, %max3A_94 : vector<16x128xf32>
      %min3A_96 = arith.minimumf %max3A_92, %max3A_95 : vector<16x128xf32>
      %max3A_97 = arith.maximumf %max3A_92, %max3A_95 : vector<16x128xf32>
      %sub3A_98 = arith.subf %min3A_96, %max3A_97 : vector<16x128xf32>
      %max3A_99 = arith.maximumf %add3A_87, %add3A_89 : vector<16x128xf32>
      %exp3A_100 = math.exp %sub3A_98 : vector<16x128xf32>
      %log1p3A_101 = math.log1p %exp3A_100 : vector<16x128xf32>
      %add3A_102 = arith.addf %max3A_99, %log1p3A_101 : vector<16x128xf32>
      %broadcast_in_dim3A_103 = vector.shape_cast %add3A_102 : vector<16x128xf32> to vector<1x16x128xf32>
      %add3A_104 = arith.constant 1 : i32
      %add3A_105 = arith.addi %scan3A_81, %add3A_104 : i32
      %swap3A_106 = arith.index_cast %add3A_105 : i32 to index
      %swap3A_107 = arith.constant 0 : index
      %swap3A_108 = arith.constant 0 : index
      %swap3A_109 = vector.load %arg5[%swap3A_106, %swap3A_107, %swap3A_108] : memref<1001x16x128xf32, #tpu.memory_space<vmem>>, vector<1x16x128xf32>
      tpu.vector_store %arg5[%swap3A_106, %swap3A_107, %swap3A_108], %broadcast_in_dim3A_103 {strides = array<i32>} : memref<1001x16x128xf32, #tpu.memory_space<vmem>>, vector<1x16x128xf32>,
      %add3A_110 = arith.constant 1 : i32
      %add3A_111 = arith.addi %scan3A_81, %add3A_110 : i32
      %min3A_112 = arith.constant 999 : i32
      %min3A_113 = arith.minsi %add3A_111, %min3A_112 : i32
      %get3A_114 = arith.index_cast %min3A_113 : i32 to index
      %get3A_115 = arith.constant 0 : index
      %get3A_116 = vector.load %arg3[%get3A_114, %get3A_115] : memref<1000x128xf32, #tpu.memory_space<vmem>>, vector<1x128xf32>
      %get3A_117 = arith.index_cast %min3A_113 : i32 to index
      %get3A_118 = arith.constant 0 : index
      %get3A_119 = vector.load %arg4[%get3A_117, %get3A_118] : memref<1000x128xf32, #tpu.memory_space<vmem>>, vector<1x128xf32>
      %scan3A_120 = arith.constant 1 : i32
      %scan3A_121 = arith.addi %scan3A_81, %scan3A_120 : i32
      %broadcast_in_dim3A_122 = vector.broadcast %scan3A : f32 to vector<1x128xf32>
      %slice3A_123 = vector.extract_strided_slice %add3A_102 {offsets = [0, 0], sizes = [15, 128], strides = [1, 1]} : vector<16x128xf32> to vector<15x128xf32>
      %concatenate3A_124 = tpu.concatenate %broadcast_in_dim3A_122, %slice3A_123 in 0 : vector<1x128xf32>, vector<15x128xf32> -> vector<16x128xf32>
      %add3A_125 = vector.broadcast %get3A_116 : vector<1x128xf32> to vector<16x128xf32>
      %add3A_126 = arith.addf %concatenate3A_124, %add3A_125 : vector<16x128xf32>
      %add3A_127 = vector.broadcast %get3A_119 : vector<1x128xf32> to vector<16x128xf32>
      %add3A_128 = arith.addf %add3A_102, %add3A_127 : vector<16x128xf32>
      %max3A_129 = arith.constant -3.000000e+38 : f32
      %max3A_130 = vector.broadcast %max3A_129 : f32 to vector<16x128xf32>
      %max3A_131 = arith.maximumf %add3A_126, %max3A_130 : vector<16x128xf32>
      %max3A_132 = arith.constant -3.000000e+38 : f32
      %max3A_133 = vector.broadcast %max3A_132 : f32 to vector<16x128xf32>
      %max3A_134 = arith.maximumf %add3A_128, %max3A_133 : vector<16x128xf32>
      %min3A_135 = arith.minimumf %max3A_131, %max3A_134 : vector<16x128xf32>
      %max3A_136 = arith.maximumf %max3A_131, %max3A_134 : vector<16x128xf32>
      %sub3A_137 = arith.subf %min3A_135, %max3A_136 : vector<16x128xf32>
      %max3A_138 = arith.maximumf %add3A_126, %add3A_128 : vector<16x128xf32>
      %exp3A_139 = math.exp %sub3A_137 : vector<16x128xf32>
      %log1p3A_140 = math.log1p %exp3A_139 : vector<16x128xf32>
      %add3A_141 = arith.addf %max3A_138, %log1p3A_140 : vector<16x128xf32>
      %broadcast_in_dim3A_142 = vector.shape_cast %add3A_141 : vector<16x128xf32> to vector<1x16x128xf32>
      %add3A_143 = arith.constant 1 : i32
      %add3A_144 = arith.addi %scan3A_121, %add3A_143 : i32
      %swap3A_145 = arith.index_cast %add3A_144 : i32 to index
      %swap3A_146 = arith.constant 0 : index
      %swap3A_147 = arith.constant 0 : index
      %swap3A_148 = vector.load %arg5[%swap3A_145, %swap3A_146, %swap3A_147] : memref<1001x16x128xf32, #tpu.memory_space<vmem>>, vector<1x16x128xf32>
      tpu.vector_store %arg5[%swap3A_145, %swap3A_146, %swap3A_147], %broadcast_in_dim3A_142 {strides = array<i32>} : memref<1001x16x128xf32, #tpu.memory_space<vmem>>, vector<1x16x128xf32>,
      %add3A_149 = arith.constant 1 : i32
      %add3A_150 = arith.addi %scan3A_121, %add3A_149 : i32
      %min3A_151 = arith.constant 999 : i32
      %min3A_152 = arith.minsi %add3A_150, %min3A_151 : i32
      %get3A_153 = arith.index_cast %min3A_152 : i32 to index
      %get3A_154 = arith.constant 0 : index
      %get3A_155 = vector.load %arg3[%get3A_153, %get3A_154] : memref<1000x128xf32, #tpu.memory_space<vmem>>, vector<1x128xf32>
      %get3A_156 = arith.index_cast %min3A_152 : i32 to index
      %get3A_157 = arith.constant 0 : index
      %get3A_158 = vector.load %arg4[%get3A_156, %get3A_157] : memref<1000x128xf32, #tpu.memory_space<vmem>>, vector<1x128xf32>
      scf.yield %add3A_141, %get3A_155, %get3A_158 : vector<16x128xf32>, vector<1x128xf32>, vector<1x128xf32>
    }
    %scan3A_69 = arith.constant 1000 : i32
    %iota3A_70 = tpu.iota {dimensions = array<i32: 1>} : vector<8x16x128xi32>
    %ge3A = arith.constant 1 : i32
    %ge3A_71 = vector.broadcast %ge3A : i32 to vector<8x16x128xi32>
    %ge3A_72 = arith.cmpi sge, %iota3A_70, %ge3A_71 : vector<8x16x128xi32>
    %le3A = arith.constant 9 : i32
    %le3A_73 = vector.broadcast %le3A : i32 to vector<8x16x128xi32>
    %le3A_74 = arith.cmpi sle, %iota3A_70, %le3A_73 : vector<8x16x128xi32>
    %and3A = arith.andi %ge3A_72, %le3A_74 : vector<8x16x128xi1>
    %scan3A_75 = arith.constant 0xFF800000 : f32
    %scan3A_76 = arith.constant 0 : i32
    %scan3A_77 = arith.constant 125 : i32
    %scan3A_78 = arith.addi %scan3A_76, %scan3A_77 : i32
    %scan3A_79 = arith.constant 1 : i32
    scf.for %scan3A_81 = %scan3A_76 to %scan3A_78 step %scan3A_79  : i32 {
      %mul3A_82 = arith.constant 8 : i32
      %mul3A_83 = arith.muli %scan3A_81, %mul3A_82 : i32
      %get3A_84 = arith.index_cast %mul3A_83 : i32 to index
      %get3A_85 = arith.constant 0 : index
      %get3A_86 = arith.constant 0 : index
      %get3A_87 = vector.load %arg5[%get3A_84, %get3A_85, %get3A_86] : memref<1001x16x128xf32, #tpu.memory_space<vmem>>, vector<8x16x128xf32>
      %add3A_88 = arith.constant 1 : i32
      %add3A_89 = arith.addi %mul3A_83, %add3A_88 : i32
      %get3A_90 = arith.index_cast %add3A_89 : i32 to index
      %get3A_91 = arith.constant 0 : index
      %get3A_92 = arith.constant 0 : index
      %get3A_93 = vector.load %arg5[%get3A_90, %get3A_91, %get3A_92] : memref<1001x16x128xf32, #tpu.memory_space<vmem>>, vector<8x16x128xf32>
      %get3A_94 = arith.index_cast %mul3A_83 : i32 to index
      %get3A_95 = arith.constant 0 : index
      %get3A_96 = vector.load %arg3[%get3A_94, %get3A_95] : memref<1000x128xf32, #tpu.memory_space<vmem>>, vector<8x128xf32>
      %broadcast_in_dim3A_97 = vector.shape_cast %get3A_96 : vector<8x128xf32> to vector<8x1x128xf32>
      %broadcast_in_dim3A_98 = vector.broadcast %scan3A_75 : f32 to vector<8x1x128xf32>
      %slice3A = vector.extract_strided_slice %get3A_87 {offsets = [0, 0, 0], sizes = [8, 15, 128], strides = [1, 1, 1]} : vector<8x16x128xf32> to vector<8x15x128xf32>
      %concatenate3A = tpu.concatenate %broadcast_in_dim3A_98, %slice3A in 1 : vector<8x1x128xf32>, vector<8x15x128xf32> -> vector<8x16x128xf32>
      %add3A_99 = vector.broadcast %broadcast_in_dim3A_97 : vector<8x1x128xf32> to vector<8x16x128xf32>
      %add3A_100 = arith.addf %concatenate3A, %add3A_99 : vector<8x16x128xf32>
      %sub3A_101 = arith.subf %add3A_100, %get3A_93 : vector<8x16x128xf32>
      %get3A_102 = arith.index_cast %mul3A_83 : i32 to index
      %get3A_103 = arith.constant 0 : index
      %get3A_104 = vector.load %arg1[%get3A_102, %get3A_103] : memref<1000x128xf32, #tpu.memory_space<vmem>>, vector<8x128xf32>
      %broadcast_in_dim3A_105 = vector.shape_cast %get3A_104 : vector<8x128xf32> to vector<8x1x128xf32>
      %exp3A_106 = math.exp %sub3A_101 : vector<8x16x128xf32>
      %lt3A = vector.broadcast %broadcast_in_dim3A_105 : vector<8x1x128xf32> to vector<8x16x128xf32>
      %lt3A_107 = arith.cmpf olt, %lt3A, %exp3A_106 : vector<8x16x128xf32>
      %convert_element_type3A = arith.extui %lt3A_107 : vector<8x16x128xi1> to vector<8x16x128xi32>
      %shift_left3A = arith.shli %convert_element_type3A, %iota3A_70 : vector<8x16x128xi32>
      %jit3A_108 = arith.constant 0 : i32
      %broadcast_in_dim3A_109 = vector.broadcast %jit3A_108 : i32 to vector<8x16x128xi32>
      %select_n3A_110 = arith.select %and3A, %shift_left3A, %broadcast_in_dim3A_109 : vector<8x16x128xi1>, vector<8x16x128xi32>
      %reduce_sum3A = arith.constant dense<0> : vector<8x128xi32>
      %reduce_sum3A_111 = vector.multi_reduction <add>, %select_n3A_110, %reduce_sum3A [1] : vector<8x16x128xi32> to vector<8x128xi32>
      %swap3A_112 = arith.index_cast %mul3A_83 : i32 to index
      %swap3A_113 = arith.constant 0 : index
      %swap3A_114 = vector.load %arg2[%swap3A_112, %swap3A_113] : memref<1000x128xi32, #tpu.memory_space<vmem>>, vector<8x128xi32>
      tpu.vector_store %arg2[%swap3A_112, %swap3A_113], %reduce_sum3A_111 {strides = array<i32>} : memref<1000x128xi32, #tpu.memory_space<vmem>>, vector<8x128xi32>,
    }
    %scan3A_80 = arith.constant 125 : i32
    return
  }
}

</mosaic_0001>

<sc_bundles>
// kernel: kernel.4.cloned.1.call-start
scs
__scs_entry_jumppad:
0x0: {  	(pc) =	sbr.rel $0x88, $3  }
0x1: {  	(tag) =	ssettag $0x0;
	lr =	simm.s32 $0x1  }
0x2: {  	[smem:$0x3FA0] =	sst lr;
	_ =	strace $0xD0000000  }
0x3: {  	_ = 	snop  }
0x4: {  	_ = 	snop  }
0x5: {  	_ = 	snop  }
0x6: {  	_ = 	snop  }
0x7: {  	_ = 	snop  }
__scs_overlays_trampoline_lowered:
0x8: {  	[smem:$0x3FAF] =	sst s0  }
0x9: {  	[smem:$0x3FB0] =	sst s1  }
0xa: {  	[smem:$0x3FB1] =	sst s2  }
0xb: {  	[smem:$0x3FB2] =	sst s3  }
0xc: {  	[smem:$0x3FB3] =	sst s4  }
0xd: {  	[smem:$0x3FB4] =	sst s5  }
0xe: {  	[smem:$0x3FB5] =	sst s6  }
0xf: {  	[smem:$0x3FB6] =	sst s7  }
0x10: {  	[smem:$0x3FB7] =	sst s8  }
0x11: {  	[smem:$0x3FB8] =	sst s9;
	s0 =	simm.s32 @!p0 $0x0  }
0x12: {  	s1 =	sld [smem:$0x3F9E];
	s0 =	simm.s32 @p0 $0x1  }
0x13: {  	[smem:$0x3FB9] =	sst s0;
	s0 =	simm.s32 @!p1 $0x0  }
0x14: {  	s2 =	sld [smem:$0x3F9D];
	s0 =	simm.s32 @p1 $0x1  }
0x15: {  	[smem:$0x3FBA] =	sst s0;
	s0 =	simm.s32 @!p2 $0x0  }
0x16: {  	s3 =	sld [smem:$0x3FDB];
	s0 =	simm.s32 @p2 $0x1  }
0x17: {  	s4 =	simm.s32 $0x1BF5;
	[smem:$0x3FBC] =	sst s0  }
0x18: {  	s0 =	sld [smem:$0x3F9F];
	_ =	swait.ge [sflag:s4], $0x0  }
0x19: {  	s7 =	sld [smem:$0x3FA0]  }
0x1a: {  	s8 =	sadd.s32 $0xFFFFE003, lr  }
0x1b: {  	s9 =	sadd.s32 $0xFFFFFEF7, lr;
	s5 =	simm.s32 $0xFFFFFFFF;
	p2 =	slt.u32 s8, $0xFFFFF086  }
0x1c: {  	p1 =	slt.u32 s9, $0xF7A;
	s5 =	simm.s32 @!p2 $0x0  }
0x1d: {  	s5 =	simm.s32 @p1 $0x1;
	p0 =	seq.s32 s7, s2  }
0x1e: {  	s7 =	smul.u32 @!p0 $0xF7A, s2;
	p2 =	seq.s32 @!p0 s5, $0x0  }
0x1f: {  	s9 =	smul.u32 $0xF7A, s1;
	s8 =	simm.s32 @!p0 $0x1BF5;
	p2 =	por !p2, p0  }
0x20: {  	[sflag:s8] =	ssyncset.s32 @!p0 $0xFFFFF086;
	s6 =	sadd.s32 @!p0 s3, s7;
	s7 =	simm.s32 @!p0 $0x108  }
0x21: {  	s3 =	sadd.s32 s3, s9;
	s6 =	sadd.s32 @!p0 $0x88, s6;
	s7 =	simm.s32 @p2 $0x1082  }
0x22: {  	[simem:s7], [sflag:s8] =	dma.local @!p0 [hbm:s6], $0xF7A  }
0x23: {  	s9 =	sor.u32 $0xD0000000, s2;
	s6 =	simm.s32 $0x108;
	_ =	swait.ge @!p0 [sflag:s8], $0x0  }
0x24: {  	s3 =	sadd.s32 $0x88, s3;
	s6 =	simm.s32 @!p1 $0x1082;
	[sflag:s4] =	ssyncset.s32 $0xFFFFF086  }
0x25: {  	[simem:s6], [sflag:s4] =	dma.local [hbm:s3], $0xF7A  }
0x26: {  	[smem:$0x3FA0] =	sst s1;
	(tag) =	ssettag s2;
	_ =	strace s9  }
0x27: {  	s1 =	sld [smem:$0x3FB0]  }
0x28: {  	s2 =	sld [smem:$0x3FB1]  }
0x29: {  	s4 =	sld [smem:$0x3FB3]  }
0x2a: {  	p0 =	seq.s32 s5, $0x0;
	s5 =	sld [smem:$0x3FB4]  }
0x2b: {  	s6 =	sld [smem:$0x3FB5]  }
0x2c: {  	s7 =	sld [smem:$0x3FB6]  }
0x2d: {  	s3 =	simm.s32 $0x108;
	s8 =	sld [smem:$0x3FB7]  }
0x2e: {  	s3 =	simm.s32 @!p0 $0x1082;
	s9 =	sld [smem:$0x3FB8]  }
0x2f: {  	lr =	sadd.s32 s0, s3;
	s0 =	sld [smem:$0x3FAF]  }
0x30: {  	s3 =	sld [smem:$0x3FB2]  }
0x31: {  	[smem:$0x3FBB] =	sst s10  }
0x32: {  	s10 =	sld [smem:$0x3FB9];
	_ =	sdelay $0x3  }
0x33: {  	p0 =	seq.s32 s10, $0x1;
	s10 =	sld [smem:$0x3FBB];
	_ =	sdelay $0x3  }
0x34: {  	[smem:$0x3FBB] =	sst s10  }
0x35: {  	s10 =	sld [smem:$0x3FBA];
	_ =	sdelay $0x3  }
0x36: {  	p1 =	seq.s32 s10, $0x1;
	s10 =	sld [smem:$0x3FBB];
	_ =	sdelay $0x3  }
0x37: {  	[smem:$0x3FBB] =	sst s10  }
0x38: {  	s10 =	sld [smem:$0x3FBC]  }
0x39: {  	_ = 	snop;
	(pc) =	sbr.ind lr, $3  }
0x3a: {  	_ = 	snop  }
0x3b: {  	_ = 	snop  }
0x3c: {  	p2 =	seq.s32 s10, $0x1;
	s10 =	sld [smem:$0x3FBB]  }
0x3d: {  	_ =	shalt  }
0x3e: {  	_ =	shalt  }
0x3f: {  	_ =	shalt  }
0x40: {  	_ =	shalt  }
0x41: {  	_ =	shalt  }
0x42: {  	_ =	shalt  }
0x43: {  	_ =	shalt  }
0x44: {  	_ =	shalt  }
0x45: {  	_ =	shalt  }
0x46: {  	_ =	shalt  }
0x47: {  	_ =	shalt  }
0x48: {  	_ =	shalt  }
0x49: {  	_ =	shalt  }
0x4a: {  	_ =	shalt  }
0x4b: {  	_ =	shalt  }
0x4c: {  	_ =	shalt  }
0x4d: {  	_ =	shalt  }
0x4e: {  	_ =	shalt  }
0x4f: {  	_ =	shalt  }
0x50: {  	_ =	shalt  }
0x51: {  	_ =	shalt  }
0x52: {  	_ =	shalt  }
0x53: {  	_ =	shalt  }
0x54: {  	_ =	shalt  }
0x55: {  	_ =	shalt  }
0x56: {  	_ =	shalt  }
0x57: {  	_ =	shalt  }
0x58: {  	_ =	shalt  }
0x59: {  	_ =	shalt  }
0x5a: {  	_ =	shalt  }
0x5b: {  	_ =	shalt  }
0x5c: {  	_ =	shalt  }
0x5d: {  	_ =	shalt  }
0x5e: {  	_ =	shalt  }
0x5f: {  	_ =	shalt  }
0x60: {  	_ =	shalt  }
0x61: {  	_ =	shalt  }
0x62: {  	_ =	shalt  }
0x63: {  	_ =	shalt  }
0x64: {  	_ =	shalt  }
0x65: {  	_ =	shalt  }
0x66: {  	_ =	shalt  }
0x67: {  	_ =	shalt  }
0x68: {  	_ =	shalt  }
0x69: {  	_ =	shalt  }
0x6a: {  	_ =	shalt  }
0x6b: {  	_ =	shalt  }
0x6c: {  	_ =	shalt  }
0x6d: {  	_ =	shalt  }
0x6e: {  	_ =	shalt  }
0x6f: {  	_ =	shalt  }
0x70: {  	_ =	shalt  }
0x71: {  	_ =	shalt  }
0x72: {  	_ =	shalt  }
0x73: {  	_ =	shalt  }
0x74: {  	_ =	shalt  }
0x75: {  	_ =	shalt  }
0x76: {  	_ =	shalt  }
0x77: {  	_ =	shalt  }
0x78: {  	_ =	shalt  }
0x79: {  	_ =	shalt  }
0x7a: {  	_ =	shalt  }
0x7b: {  	_ =	shalt  }
0x7c: {  	_ =	shalt  }
0x7d: {  	_ =	shalt  }
0x7e: {  	_ =	shalt  }
0x7f: {  	_ =	shalt  }
0x80: {  	_ =	shalt  }
0x81: {  	_ =	shalt  }
0x82: {  	_ =	shalt  }
0x83: {  	_ =	shalt  }
0x84: {  	_ =	shalt  }
0x85: {  	_ =	shalt  }
0x86: {  	_ =	shalt  }
0x87: {  	_ =	shalt  }
.Lfunc_end0:
.L_simem_size_0:
called_computation_lowered:
.L_overlay_start_0:
0x88: {  	s2 =	sld [smem:$0x3FD9]  }
0x89: {  	s3 =	sld [smem:$0x3FFE];
	_ =	sdelay $0x1  }
0x8a: {  	s1 =	srdreg.scid  }
0x8b: {  	s0 =	sand.u32 $0x1, s1  }
0x8c: {  	s17 =	sshll.u32 s0, $0xA;
	s2 =	sadd.s32 s3, s2  }
0x8d: {  	s2 =	sadd.s32 s2, s17  }
0x8e: {  	[smem:$0x3FC7] =	sst s2  }
0x8f: {  	_ = 	snop  }
0x90: {  	s2 =	sld [smem:$0x3FD0];
	(tm) =	ssettm $0x1  }
0x91: {  	s18 =	sld [smem:$0x3FFB];
	_ =	sdelay $0x3  }
0x92: {  	_ =	strace s18  }
0x93: {  	s3 =	sld [smem:$0x3FFC];
	_ =	sdelay $0x3  }
0x94: {  	_ =	strace s3  }
0x95: {  	s3 =	sld [smem:$0x3FFD];
	_ =	sdelay $0x3  }
0x96: {  	_ =	strace s3  }
0x97: {  	_ =	strace $0x8FFFFFFF  }
0x98: {  	s19 =	sld [smem:$0x3FDB];
	_ =	sdelay $0x1  }
0x99: {  	s4 =	simm.s32 $_scs_section_size  }
0x9a: {  	s5 =	simm.s32 $_size__tile_overlayer_lowered;
	s6 =	simm.s32 $_tile_overlayer_lowered  }
0x9b: {  	s22 =	simm.s32 $0x1BFF;
	s21 =	sshll.u32 s6, $0x1;
	s3 =	sadd.s32 s4, s19  }
0x9c: {  	s7 =	simm.s32 $0x0;
	s20 =	sshll.u32 s5, $0x1;
	s5 =	sadd.s32 s21, s3  }
0x9d: {  	[timem:s7], [sflag:s22] =	dma.local [hbm:s5], s20  }
0x9e: {  	_ =	swait.ge [sflag:s22], s20  }
0x9f: {  	s4 =	ssub.s32 $0x0, s20;
	[sflag:s22] =	ssyncset.done $0x0  }
0xa0: {  	[sflag:s22] =	ssyncadd.s32 s4;
	_ =	sdelay $0x1  }
0xa1: {  	s23 =	simm.s32 $0x1B8B  }
0xa2: {  	_ =	swait.ge [sflag:s23], $0x1  }
0xa3: {  	[sflag:s23] =	ssyncset.done $0x0  }
0xa4: {  	s25 =	simm.s32 $0x1B8E;
	s24 =	sld [smem:$0x3FFE];
	[sflag:s23] =	ssyncadd.s32 $0xFFFFFFFF  }
0xa5: {  	s26 =	simm.s32 $execute0_lowered;
	[smem:$0x3FD2] =	sst s25  }
0xa6: {  	s5 =	sshll.u32 s26, $0x1;
	_ =	strace $0x80000046;
	[dreg:$0x1] =	wrdreg $0xFFFFFFFF  }
0xa7: {  	s28 =	simm.s32 $_size_execute0_lowered;
	s3 =	sadd.s32 s3, s5;
	[dreg:$0x0] =	wrdreg $0x0  }
0xa8: {  	s5 =	sshll.u32 s28, $0x1;
	[dreg:$0x2] =	wrdreg s3  }
0xa9: {  	[dreg:$0x3] =	wrdreg s5  }
0xaa: {  	[dreg:$0x4] =	wrdreg $0xC0  }
0xab: {  	_ =	task [dreg:s7], $0x5FFFF  }
0xac: {  	[dreg:$0x1] =	wrdreg $0xFFFFFFFF  }
0xad: {  	[dreg:$0x0] =	wrdreg $0x60  }
0xae: {  	[dreg:$0x2] =	wrdreg s24  }
0xaf: {  	[dreg:$0x3] =	wrdreg s2  }
0xb0: {  	[dreg:$0x4] =	wrdreg $0x22100  }
0xb1: {  	[dreg:$0x5] =	wrdreg $0x9  }
0xb2: {  	_ =	task.clear_ibuf [dreg:s7], $0x6FFFF;
	_ =	strace $0x90000046  }
0xb3: {  	s29 =	simm.s32 $0x9;
	_ =	strace $0x80000048  }
0xb4: {  	_ =	swait.ge [sflag:s29], $0x1  }
0xb5: {  	[sflag:s29] =	ssyncadd.s32 $0xFFFFFFFF  }
0xb6: {  	_ =	strace $0x90000048  }
0xb7: {  	_ =	sfence  }
0xb8: {  	s30 =	sld [smem:$0x0];
	_ =	sdelay $0x2  }
0xb9: {  	s31 =	sshll.u32 s1, $0xD;
	s1 =	sshrl.u32 s1, $0x2  }
0xba: {  	s3 =	sand.u32 $0x4000, s31;
	s1 =	sadd.s32 s1, s30  }
0xbb: {  	s0 =	sor.u32 s3, s0;
	s1 =	sshll.u32 s1, $0x11  }
0xbc: {  	s0 =	sor.u32 s1, s0  }
0xbd: {  	s0 =	sadd.s32 $0x8F2B, s0  }
0xbe: {  	[sflag:s0] =	ssyncadd.remote.s32 $0x1  }
0xbf: {  	_ =	sfence.sel $0xFFFF  }
0xc0: {  	[dreg:$0x0] =	wrdreg $0xFFFFFFFF;
	(pc) =	sbr.abs _section_cstart, $3  }
0xc1: {  	[dreg:$0x1] =	wrdreg $0xFFFFFFFF  }
0xc2: {  	_ =	task.clear_ibuf [dreg:s7], $0x2FFFF;
	_ =	strace $0x9FFFFFFF  }
0xc3: {  	(tm) =	ssettm $0x7FFFFFFF  }
tec
execute0_lowered:
.L_overlay_start_1:
0x0: {  	(tag) =	ssettag $0x1  }
0x1: {  	s3 =	rddreg [dreg:$0x0]  }
0x2: {  	s6 =	rddreg [dreg:$0x1]  }
0x3: {  	s5 =	rddreg [dreg:$0x2]  }
0x4: {  	s1 =	srdreg.scid;
	s0 =	stileid.u32  }
0x5: {  	s2 =	simm.s32 $0x0;
	s12 =	simm.s32 $0x1FD0;
	s13 =	simm.s32 $0xFA0  }
0x6: {  	s14 =	simm.s32 $0x0;
	s4 =	sand.u32 $0x1, s1;
	s7 =	sshrl.u32 s0, $0x2  }
0x7: {  	s11 =	sand.u32 $0x3, s0;
	s1 =	rddreg [dreg:$0x3];
	s29 =	smul.u32 $0x240, s0  }
0x8: {  	[smem:$0x7FF] =	sst s2;
	s8 =	smul.u32 $0x7D00, s11;
	s9 =	sshll.u32 s4, $0x6  }
0x9: {  	s10 =	sshll.u32 s7, $0x4;
	s4 =	ssub.s32 $0x2, s4;
	s7 =	smul.u32 $0x900, s7  }
0xa: {  	_ =	strace $0x80000047;
	p0 =	seq.s32 s11, $0x0;
	p1 =	slt.u32 s11, $0x2  }
0xb: {  	p2 =	seq.s32 s11, $0x3;
	s11 =	simm.s32 $0x1F40;
	s9 =	sor.u32 s9, s10  }
0xc: {  	s30 =	sshrl.u32 s4, $0x1;
	s31 =	sshrl.u32 s29, $0x2;
	s8 =	sor.u32 s8, s9  }
0xd: {  	s10 =	ssub.s32 s4, s30;
	s7 =	sshrl.u32 s7, $0x2;
	s4 =	sadd.s32 s31, s5  }
0xe: {  	s9 =	simm.s32 $0x80;
	s8 =	sshrl.u32 s8, $0x3;
	s5 =	sadd.s32 s7, s5  }
0xf: {  	v2 =	vlaneseq.u32;
	s7 =	smax.u32 s10, $0x1;
	s10 =	simm.s32 $0x1;
	s3 =	sadd.s32 s8, s3  }
0x10: {  	v0 =	vor.u32 $0x230, v2;
	v1 =	vor.u32 $0x110, v2;
	v2 =	vor.u32 $0x80, v2;
	s6 =	sadd.s32 s6, s8;
	s8 =	simm.s32 $0x10;
	s3 =	sadd.s32 $0xA00, s3  }
.LBB2_1:
0x11: {  	[tilespmem:s2], [sflag:$0x1] =	stream.strided.gather [hbm4b:s3+s8], $0xFA0, s9, s8, $0x38;
	[tilespmem:$0x22A0] =	vst v63  }
0x12: {  	_ =	swait.ge [sflag:s10], $0xFA0  }
0x13: {  	[sflag:s10] =	ssyncset.done $0x0  }
0x14: {  	s15 =	simm.s32 $0xF90;
	[sflag:s10] =	ssyncadd.s32 $0xFFFFF060  }
0x15: {  	v8 =	vld [tilespmem:s15+$0x0];
	_ =	sdelay $0x1  }
0x16: {  	v12 =	vimm.s32 $0x1;
	v11 =	vimm.s32 $0x2;
	v10 =	vimm.s32 $0x3  }
0x17: {  	v9 =	vimm.s32 $0x4;
	v7 =	vimm.s32 $0x5;
	v6 =	vimm.s32 $0x6  }
0x18: {  	v5 =	vimm.s32 $0x7;
	v4 =	vimm.s32 $0x8;
	v3 =	vimm.s32 $0x9  }
0x19: {  	s15 =	simm.s32 $0x3E00;
	v14 =	vshrl.u32 v8, v12;
	v15 =	vshrl.u32 v8, v11;
	v13 =	vshrl.u32 v8, v10  }
.LBB2_2:
0x1a: {  	p3 =	sne.s32 s15, $0x0;
	v14 =	vand.u32 $0x1, v14;
	v15 =	vand.u32 $0x1, v15;
	v13 =	vand.u32 $0x1, v13  }
0x1b: {  	v12 =	vsub.s32 v12, v14;
	v11 =	vsub.s32 v11, v15;
	v10 =	vsub.s32 v10, v13  }
0x1c: {  	s16 =	sshra.s32 s15, $0x2;
	v13 =	vshrl.u32 v8, v9;
	v14 =	vshrl.u32 v8, v7;
	v15 =	vshrl.u32 v8, v6  }
0x1d: {  	v13 =	vand.u32 $0x1, v13;
	v14 =	vand.u32 $0x1, v14;
	v15 =	vand.u32 $0x1, v15;
	v16 =	vld [tilespmem:s16+$0x0]  }
.Ltmp0:
0x1e: {  	v9 =	vsub.s32 v9, v13;
	v7 =	vsub.s32 v7, v14;
	v6 =	vsub.s32 v6, v15;
	(pc) =	sbr.rel @p3 .LBB2_2-.Ltmp0, $4  }
0x1f: {  	v13 =	vshrl.u32 v8, v5;
	v14 =	vshrl.u32 v8, v4;
	v8 =	vshrl.u32 v8, v3  }
0x20: {  	v13 =	vand.u32 $0x1, v13;
	v14 =	vand.u32 $0x1, v14;
	v17 =	vand.u32 $0x1, v8  }
0x21: {  	v5 =	vsub.s32 v5, v13;
	v4 =	vsub.s32 v4, v14;
	v3 =	vsub.s32 v3, v17  }
0x22: {  	s15 =	sadd.s32 $0xFFFFFFC0, s15;
	v14 =	vshrl.u32 v16, v12;
	v15 =	vshrl.u32 v16, v11;
	v13 =	vshrl.u32 v16, v10;
	v8 =	vmovc v16  }
0x23: {  	v14 =	vand.u32 $0x1, v14  }
0x24: {  	v15 =	vand.u32 $0x1, v15;
	v12 =	vsub.s32 v12, v14  }
0x25: {  	v13 =	vand.u32 $0x1, v13;
	v54 =	vshrl.u32 v8, v9;
	v11 =	vsub.s32 v11, v15;
	[tilespmem:$0x1F40] =	vst v12  }
0x26: {  	v57 =	vshrl.u32 v8, v6;
	v10 =	vsub.s32 v10, v13;
	v56 =	vand.u32 $0x1, v54;
	[tilespmem:$0x1F50] =	vst v11  }
0x27: {  	v55 =	vshrl.u32 v8, v7;
	v59 =	vand.u32 $0x1, v57;
	v58 =	vsub.s32 v9, v56;
	[tilespmem:$0x1F60] =	vst v10  }
0x28: {  	v60 =	vshrl.u32 v8, v5;
	v12 =	vand.u32 $0x1, v55;
	v6 =	vsub.s32 v6, v59;
	[tilespmem:$0x1F70] =	vst v58  }
0x29: {  	v61 =	vshrl.u32 v8, v4;
	v62 =	vand.u32 $0x1, v60;
	v7 =	vsub.s32 v7, v12;
	[tilespmem:$0x1F90] =	vst v6  }
0x2a: {  	v63 =	vand.u32 $0x1, v61;
	v5 =	vsub.s32 v5, v62;
	[tilespmem:$0x1F80] =	vst v7;
	v7 =	vshrl.u32 v8, v3  }
0x2b: {  	v4 =	vsub.s32 v4, v63;
	[tilespmem:$0x1FA0] =	vst v5;
	v6 =	vand.u32 $0x1, v7  }
0x2c: {  	[tilespmem:$0x1FB0] =	vst v4;
	v3 =	vsub.s32 v3, v6  }
0x2d: {  	[tilespmem:$0x1FC0] =	vst v3  }
0x2e: {  	[spmem:s4] =	stream.linear.scatter [tilespmem:s11], [sflag:$0x1], $0x90, $0x38;
	[tilespmem:$0x22A0] =	vst v63  }
0x2f: {  	_ =	swait.ge [sflag:s10], $0x90  }
0x30: {  	[sflag:s10] =	ssyncset.done $0x0  }
0x31: {  	[sflag:s10] =	ssyncadd.s32 $0xFFFFFF70  }
0x32: {  	[bflag:$0x0] =	sbarrier.arrive $0xFFFF  }
0x33: {  	[tilespmem:s12], [sflag:$0x1] =	stream.linear.gather [spmem:s5], $0x240, $0x38;
	[tilespmem:$0x22A0] =	vst v63  }
0x34: {  	_ =	swait.ge [sflag:s10], $0x240  }
0x35: {  	[sflag:s10] =	ssyncset.done $0x0  }
0x36: {  	[sflag:s10] =	ssyncadd.s32 $0xFFFFFDC0  }
0x37: {  	v3 =	vld.idx.msk [tilespmem:v0+s12+$0x0], $0xffff;
	_ =	sdelay $0x4  }
0x38: {  	v3 =	vpsel p2, $0x9, v3  }
0x39: {  	v4 =	vshll.u32 v3, $0x4  }
0x3a: {  	v4 =	vadd.s32 v1, v4;
	_ =	sdelay $0x4  }
0x3b: {  	v4 =	vld.idx.msk [tilespmem:v4+s12+$0x0], $0xffff;
	_ =	sdelay $0x4  }
0x3c: {  	v3 =	vpsel p1, v4, v3  }
0x3d: {  	v4 =	vshll.u32 v3, $0x4  }
0x3e: {  	v4 =	vadd.s32 v2, v4;
	_ =	sdelay $0x4  }
0x3f: {  	s15 =	simm.s32 $0xF90;
	v4 =	vld.idx.msk [tilespmem:v4+s12+$0x0], $0xffff  }
0x40: {  	v5 =	vld [tilespmem:s15+$0x0];
	_ =	sdelay $0x3  }
0x41: {  	v4 =	vpsel p0, v4, v3  }
0x42: {  	s16 =	simm.s32 $0xF80;
	v3 =	vshrl.u32 v5, v4  }
0x43: {  	v6 =	vand.u32 $0x1, v3;
	v3 =	vld [tilespmem:s16+$0x0]  }
0x44: {  	s17 =	simm.s32 $0x3DC0;
	v5 =	vcvt.s32.f32 v6;
	v4 =	vsub.s32 v4, v6  }
.LBB2_4:
0x45: {  	p3 =	sne.s32 s17, $0x0  }
.Ltmp1:
0x46: {  	s18 =	smov.u32 s17;
	s17 =	sadd.s32 $0xFFFFFFC0, s17;
	[tilespmem:s15+$0xFA0] =	vst v5;
	(pc) =	sbr.rel @p3 .LBB2_4-.Ltmp1, $4  }
0x47: {  	s15 =	smov.u32 s16  }
0x48: {  	s16 =	sshra.s32 s18, $0x2;
	v5 =	vshrl.u32 v3, v4  }
0x49: {  	v3 =	vld [tilespmem:s16+$0x0];
	v6 =	vand.u32 $0x1, v5  }
0x4a: {  	v5 =	vcvt.s32.f32 v6;
	v4 =	vsub.s32 v4, v6  }
0x4b: {  	_ =	sdelay $0x2  }
0x4c: {  	v3 =	vshrl.u32 v3, v4  }
0x4d: {  	v3 =	vand.u32 $0x1, v3  }
0x4e: {  	s14 =	sadd.s32 $0x1, s14;
	v3 =	vcvt.s32.f32 v3  }
0x4f: {  	[tilespmem:s15+$0xFA0] =	vst v5;
	p3 =	sne.s32 s14, s7  }
.Ltmp2:
0x50: {  	[tilespmem:s16+$0xFA0] =	vst v3;
	(pc) =	sbr.rel @p3 .LBB2_1-.Ltmp2, $4  }
0x51: {  	[hbm4b:s6+s8] =	stream.strided.scatter [tilespmem:s13], [sflag:$0x1], $0xFA0, s9, s8, $0x38;
	[tilespmem:$0x22A0] =	vst v63  }
0x52: {  	_ =	swait.ge [sflag:s10], $0xFA0  }
0x53: {  	[sflag:s10] =	ssyncset.done $0x0  }
0x54: {  	[sflag:s10] =	ssyncadd.s32 $0xFFFFF060  }
0x55: {  	_ =	sfence.sel $0x180000  }
0x56: {  	[bflag:$0x0] =	sbarrier.arrive $0xFFFF  }
0x57: {  	p0 =	sne.s32 s0, $0x0;
	_ =	strace $0x90000047  }
0x58: {  	s0 =	sadd.s32 @!p0 $0x100000, s1;
	[bflag:$0x2] =	sbarrier.arrive $0xFFFF  }
0x59: {  	[sflag:s0] =	ssyncadd.tile.s32 @!p0 $0x1;
	_ =	shalt  }
.Lfunc_end2:
_tile_overlayer_lowered:
.L_overlay_start_2:
0x5a: {  	(tag) =	ssettag $0x2  }
0x5b: {  	s0 =	rddreg [dreg:$0x0];
	s2 =	stileid.u32  }
0x5c: {  	s1 =	rddreg [dreg:$0x1];
	p0 =	sne.s32 s2, $0x0  }
0x5d: {  	s3 =	rddreg [dreg:$0x2];
	[bflag:$0x3] =	sbarrier.arrive $0xFFFF;
	s2 =	simm.s32 @!p0 $0x1C01  }
0x5e: {  	[timem:s3], [sflag:s2] =	dma.local @!p0 [hbm:s0], s1  }
0x5f: {  	s0 =	simm.s32 @!p0 $0x1  }
0x60: {  	_ =	swait.ge @!p0 [sflag:s0], s1  }
0x61: {  	s1 =	ssub.s32 @!p0 $0x0, s1;
	[sflag:s0] =	ssyncset.done @!p0 $0x0  }
0x62: {  	[sflag:s0] =	ssyncadd.s32 @!p0 s1  }
0x63: {  	[bflag:$0x3] =	sbarrier.arrive $0xFFFF  }
0x64: {  	_ =	shalt  }

</sc_bundles>
